<compile_context>
chip_gen: v7x
topology: tpu7x:2x2x1
jax: 0.10.2.dev20260603
libtpu: 0.0.44.dev20260713+nightly
codegen_flags: <defaults>
</compile_context>

<pallas_src>
import jax
import jax.numpy as jnp
from jax import lax
from jax.experimental import pallas as pl
from jax.experimental.pallas import tpu as pltpu
from jax.experimental.pallas import tpu_sc as plsc

N_NODES = 10000
N_EDGES = 320000
D_FEAT = 128
IN_CHANNELS = 512
OUT_CHANNELS = 64

NC = 2
NS = 16
NW = NC * NS

HIST_PAD = 10240
EPW = N_EDGES // NW
ZSTRIPE = HIST_PAD // NS

_mesh = plsc.VectorSubcoreMesh(core_axis_name="c", subcore_axis_name="s")


def _hist_body(edge_ref, ones_ref, p0_ref, p1_ref,
               idx_v, ones_v, zeros_v, hist_sh, sem_e, sem_o):
    c = lax.axis_index("c")
    s = lax.axis_index("s")
    w = s * NC + c

    cp_e = pltpu.make_async_copy(
        edge_ref.at[pl.ds(N_EDGES + w * EPW, EPW)], idx_v, sem_e)
    cp_e.start()
    cp_o = pltpu.make_async_copy(ones_ref, ones_v, sem_o)
    cp_o.start()

    def fill_zeros(i, carry):
        zeros_v[pl.ds(i * 16, 16)] = jnp.zeros((16,), jnp.int32)
        return carry

    lax.fori_loop(0, ZSTRIPE // 16, fill_zeros, 0)

    pltpu.sync_copy(zeros_v, hist_sh.at[pl.ds(s * ZSTRIPE, ZSTRIPE)])

    cp_e.wait()
    cp_o.wait()
    plsc.subcore_barrier()
    pltpu.sync_copy(ones_v, hist_sh.at[idx_v], add=True)
    plsc.subcore_barrier()

    @pl.when(c == 0)
    def _():
        pltpu.sync_copy(hist_sh.at[pl.ds(s * ZSTRIPE, ZSTRIPE)],
                        p0_ref.at[pl.ds(s * ZSTRIPE, ZSTRIPE)])

    @pl.when(c == 1)
    def _():
        pltpu.sync_copy(hist_sh.at[pl.ds(s * ZSTRIPE, ZSTRIPE)],
                        p1_ref.at[pl.ds(s * ZSTRIPE, ZSTRIPE)])


_hist_kernel = pl.kernel(
    _hist_body,
    out_type=(jax.ShapeDtypeStruct((HIST_PAD,), jnp.int32),
              jax.ShapeDtypeStruct((HIST_PAD,), jnp.int32)),
    mesh=_mesh,
    scratch_types=[
        pltpu.VMEM((EPW,), jnp.int32),
        pltpu.VMEM((EPW,), jnp.int32),
        pltpu.VMEM((ZSTRIPE,), jnp.int32),
        pltpu.VMEM_SHARED((HIST_PAD,), jnp.int32),
        pltpu.SemaphoreType.DMA,
        pltpu.SemaphoreType.DMA,
    ],
)


_BLK = 2048
_GRID = (N_NODES + _BLK - 1) // _BLK
_SUB = _BLK // 128


def _lookup_body(p0_ref, p1_ref, x_ref, emb_ref, out_ref):
    out_ref[:, 0:D_FEAT] = x_ref[...]
    emb = emb_ref[...].astype(jnp.bfloat16)
    deg = jnp.minimum(p0_ref[...] + p1_ref[...],
                      jnp.int32(IN_CHANNELS - 1))
    iota_k = lax.broadcasted_iota(jnp.int32, (IN_CHANNELS, 128), 0)
    for r in range(_SUB):
        deg_row = deg[r:r + 1, :]
        pt = (jnp.broadcast_to(deg_row, (IN_CHANNELS, 128)) == iota_k)
        pt = pt.astype(jnp.bfloat16)
        e = lax.dot_general(pt, emb, (((0,), (0,)), ((), ())),
                            preferred_element_type=jnp.float32)
        out_ref[pl.ds(r * 128, 128), pl.ds(D_FEAT, OUT_CHANNELS)] = e


_lookup_kernel = pl.pallas_call(
    _lookup_body,
    grid=(_GRID,),
    in_specs=[
        pl.BlockSpec((_SUB, 128), lambda i: (i, 0)),
        pl.BlockSpec((_SUB, 128), lambda i: (i, 0)),
        pl.BlockSpec((_BLK, D_FEAT), lambda i: (i, 0)),
        pl.BlockSpec((IN_CHANNELS, OUT_CHANNELS), lambda i: (0, 0)),
    ],
    out_specs=pl.BlockSpec((_BLK, D_FEAT + OUT_CHANNELS), lambda i: (i, 0)),
    out_shape=jax.ShapeDtypeStruct((N_NODES, D_FEAT + OUT_CHANNELS),
                                   jnp.float32),
)


def kernel(x, edge_index, emb_table):
    edge_flat = edge_index.astype(jnp.int32).reshape(2 * N_EDGES)
    ones = jnp.full((EPW,), 1, jnp.int32)
    p0, p1 = _hist_kernel(edge_flat, ones)
    p0v = p0.reshape(HIST_PAD // 128, 128)
    p1v = p1.reshape(HIST_PAD // 128, 128)
    return _lookup_kernel(p0v, p1v, x, emb_table)

# --- scband reference (transcript-rebuilt; emitter-appended) ---
"""Pipeline reference for scband-degree-encoder-66340064854590 (READ-ONLY COPY).

The authoritative reference and input builder live on the scoring server;
editing this copy changes nothing except your own understanding.
"""

import jax, jax.numpy as jnp
import numpy as np

N_NODES = 10000
N_EDGES = 320000
D_FEAT = 128
IN_CHANNELS = 512
OUT_CHANNELS = 64


def setup_inputs(seed: int = 0) -> dict:
    key = jax.random.key(seed)
    k1, k2, k3 = jax.random.split(key, 3)
    x = jax.random.normal(k1, (N_NODES, D_FEAT), dtype=jnp.float32)
    edge_index = jax.random.randint(k2, (2, N_EDGES), 0, N_NODES)
    emb_table = jax.random.normal(k3, (IN_CHANNELS, OUT_CHANNELS), dtype=jnp.float32) * 0.02
    return {"x": x, "edge_index": edge_index, "emb_table": emb_table}


def reference(x, edge_index, emb_table):
    # degree of each node = count of occurrences as destination (edge_index[1])
    degree = jnp.bincount(edge_index[1], length=x.shape[0])
    degree = jnp.clip(degree, 0, emb_table.shape[0] - 1).astype(jnp.int32)
    # embedding lookup on integer degree
    degree_emb = jnp.take(emb_table, degree, axis=0)
    # concatenate with node features
    out = jnp.concatenate([x, degree_emb], axis=1)
    return out

if __name__ == "__main__":
    import jax
    _d = setup_inputs()
    print(jax.jit(kernel)(*tuple(_d.values())))

</pallas_src>

<mosaic_0001>
#map = affine_map<(d0, d1) -> (0)>
module attributes {stable_mosaic.version = 14 : i64} {
  func.func @_hist_body(%arg0: i32, %arg1: i32, %arg2: memref<640000xi32, #tpu.memory_space<hbm>>, %arg3: memref<10000xi32, #tpu.memory_space<hbm>>, %arg4: memref<10240xi32, #tpu.memory_space<hbm>>, %arg5: memref<10240xi32, #tpu.memory_space<hbm>>, %arg6: memref<10000xi32, #tpu.memory_space<vmem>>, %arg7: memref<10000xi32, #tpu.memory_space<vmem>>, %arg8: memref<640xi32, #tpu.memory_space<vmem>>, %arg9: memref<10240xi32, #tpu.memory_space<vmem_shared>>, %arg10: memref<!tpu.dma_semaphore, #tpu.memory_space<semaphore_mem>>, %arg11: memref<!tpu.dma_semaphore, #tpu.memory_space<semaphore_mem>>) attributes {dimension_semantics = [#tpu.dimension_semantics<core_parallel>, #tpu.dimension_semantics<subcore_parallel>], iteration_bounds = array<i64: 2, 16>, scalar_prefetch = 0 : i64, scratch_operands = 6 : i64, tpu.core_type = #tpu.core_type<sc_vector_subcore>, window_params = [{transform_indices = #map}, {transform_indices = #map}, {transform_indices = #map}, {transform_indices = #map}]} {
    %mul3A = arith.constant 2 : i32
    %mul3A_0 = arith.muli %arg1, %mul3A : i32
    %add3A = arith.addi %mul3A_0, %arg0 : i32
    %mul3A_1 = arith.constant 10000 : i32
    %mul3A_2 = arith.muli %add3A, %mul3A_1 : i32
    %add3A_3 = arith.constant 320000 : i32
    %add3A_4 = arith.addi %add3A_3, %mul3A_2 : i32
    %dma_start3A = tpu.memref_slice %arg2[%add3A_4] : memref<640000xi32, #tpu.memory_space<hbm>> -> memref<10000xi32, #tpu.memory_space<hbm>>
    %dma_start3A_5 = tpu.memref_slice %arg2[%add3A_4] : memref<640000xi32, #tpu.memory_space<hbm>> -> memref<10000xi32, #tpu.memory_space<hbm>>
    tpu.enqueue_dma source(%dma_start3A_5 : memref<10000xi32, #tpu.memory_space<hbm>>) target(%arg6 : memref<10000xi32, #tpu.memory_space<vmem>>) target_semaphore(%arg10 : memref<!tpu.dma_semaphore, #tpu.memory_space<semaphore_mem>>)
    tpu.enqueue_dma source(%arg3 : memref<10000xi32, #tpu.memory_space<hbm>>) target(%arg7 : memref<10000xi32, #tpu.memory_space<vmem>>) target_semaphore(%arg11 : memref<!tpu.dma_semaphore, #tpu.memory_space<semaphore_mem>>)
    %scan3A = arith.constant 0 : i32
    %scan3A_6 = arith.constant 0 : i32
    %scan3A_7 = arith.constant 40 : i32
    %scan3A_8 = arith.addi %scan3A_6, %scan3A_7 : i32
    %scan3A_9 = arith.constant 1 : i32
    scf.for %scan3A_22 = %scan3A_6 to %scan3A_8 step %scan3A_9  : i32 {
      %broadcast_in_dim3A = arith.constant 0 : i32
      %broadcast_in_dim3A_23 = vector.broadcast %broadcast_in_dim3A : i32 to vector<16xi32>
      %mul3A_24 = arith.constant 16 : i32
      %mul3A_25 = arith.muli %scan3A_22, %mul3A_24 : i32
      %swap3A = arith.index_cast %mul3A_25 : i32 to index
      %swap3A_26 = tpu.vector_load %arg8[%swap3A] {strides = array<i32>} : memref<640xi32, #tpu.memory_space<vmem>>, vector<16xi32>,
      %swap3A_27 = vector.shape_cast %swap3A_26 : vector<16xi32> to vector<16xi32>
      %swap3A_28 = vector.shape_cast %broadcast_in_dim3A_23 : vector<16xi32> to vector<16xi32>
      tpu.vector_store %arg8[%swap3A], %swap3A_28 {strides = array<i32>} : memref<640xi32, #tpu.memory_space<vmem>>, vector<16xi32>,
    }
    %scan3A_10 = arith.constant 40 : i32
    %mul3A_11 = arith.constant 640 : i32
    %mul3A_12 = arith.muli %arg1, %mul3A_11 : i32
    "tpu.region"() ({
      %run_scoped3A = tpu.sem_alloc : memref<!tpu.dma_semaphore, #tpu.memory_space<semaphore_mem>>
      %dma_start3A_22 = tpu.memref_slice %arg9[%mul3A_12] : memref<10240xi32, #tpu.memory_space<vmem_shared>> -> memref<640xi32, #tpu.memory_space<vmem_shared>>
      %dma_start3A_23 = tpu.memref_slice %arg9[%mul3A_12] : memref<10240xi32, #tpu.memory_space<vmem_shared>> -> memref<640xi32, #tpu.memory_space<vmem_shared>>
      tpu.enqueue_dma source(%arg8 : memref<640xi32, #tpu.memory_space<vmem>>) target(%dma_start3A_23 : memref<640xi32, #tpu.memory_space<vmem_shared>>) target_semaphore(%run_scoped3A : memref<!tpu.dma_semaphore, #tpu.memory_space<semaphore_mem>>)
      %dma_wait3A_24 = tpu.memref_slice %arg9[%mul3A_12] : memref<10240xi32, #tpu.memory_space<vmem_shared>> -> memref<640xi32, #tpu.memory_space<vmem_shared>>
      %dma_wait3A_25 = tpu.memref_slice %arg9[%mul3A_12] : memref<10240xi32, #tpu.memory_space<vmem_shared>> -> memref<640xi32, #tpu.memory_space<vmem_shared>>
      tpu.wait_dma2 semaphore(%run_scoped3A : memref<!tpu.dma_semaphore, #tpu.memory_space<semaphore_mem>>) src(%arg8 : memref<640xi32, #tpu.memory_space<vmem>>) dst(%dma_wait3A_25 : memref<640xi32, #tpu.memory_space<vmem_shared>>)
      tpu.yield
    }) : () -> ()
    %dma_wait3A = tpu.memref_slice %arg2[%add3A_4] : memref<640000xi32, #tpu.memory_space<hbm>> -> memref<10000xi32, #tpu.memory_space<hbm>>
    %dma_wait3A_13 = tpu.memref_slice %arg2[%add3A_4] : memref<640000xi32, #tpu.memory_space<hbm>> -> memref<10000xi32, #tpu.memory_space<hbm>>
    tpu.wait_dma2 semaphore(%arg10 : memref<!tpu.dma_semaphore, #tpu.memory_space<semaphore_mem>>) src(%dma_wait3A_13 : memref<10000xi32, #tpu.memory_space<hbm>>) dst(%arg6 : memref<10000xi32, #tpu.memory_space<vmem>>)
    tpu.wait_dma2 semaphore(%arg11 : memref<!tpu.dma_semaphore, #tpu.memory_space<semaphore_mem>>) src(%arg3 : memref<10000xi32, #tpu.memory_space<hbm>>) dst(%arg7 : memref<10000xi32, #tpu.memory_space<vmem>>)
    %barrier3A = arith.constant 0 : index
    tpu.barrier barrier_id(%barrier3A)
    "tpu.region"() ({
      %run_scoped3A = tpu.sem_alloc : memref<!tpu.dma_semaphore, #tpu.memory_space<semaphore_mem>>
      %dma_start3A_22 = arith.constant 0 : i32
      %dma_start3A_23 = tpu.memref_slice %arg9[%dma_start3A_22] : memref<10240xi32, #tpu.memory_space<vmem_shared>> -> memref<10240xi32, #tpu.memory_space<vmem_shared>>
      tpu.enqueue_indirect_dma source(%arg7 : memref<10000xi32, #tpu.memory_space<vmem>>) target(%dma_start3A_23 : memref<10240xi32, #tpu.memory_space<vmem_shared>>) offsets(%arg6 : memref<10000xi32, #tpu.memory_space<vmem>>) semaphore(%run_scoped3A : memref<!tpu.dma_semaphore, #tpu.memory_space<semaphore_mem>>) {add = true}
      %dma_wait3A_24 = arith.constant 0 : i32
      %dma_wait3A_25 = tpu.memref_slice %arg9[%dma_wait3A_24] : memref<10240xi32, #tpu.memory_space<vmem_shared>> -> memref<10240xi32, #tpu.memory_space<vmem_shared>>
      tpu.wait_indirect_dma semaphore(%run_scoped3A : memref<!tpu.dma_semaphore, #tpu.memory_space<semaphore_mem>>) src(%arg7 : memref<10000xi32, #tpu.memory_space<vmem>>) dst(%dma_wait3A_25 : memref<10240xi32, #tpu.memory_space<vmem_shared>>)
      tpu.yield
    }) : () -> ()
    %barrier3A_14 = arith.constant 0 : index
    tpu.barrier barrier_id(%barrier3A_14)
    %eq3A = arith.constant 0 : i32
    %eq3A_15 = arith.cmpi eq, %arg0, %eq3A : i32
    %convert_element_type3A = arith.extui %eq3A_15 : i1 to i32
    %cond3A = arith.constant 0 : i32
    %cond3A_16 = arith.cmpi ne, %convert_element_type3A, %cond3A : i32
    scf.if %cond3A_16 {
      %mul3A_22 = arith.constant 640 : i32
      %mul3A_23 = arith.muli %arg1, %mul3A_22 : i32
      %mul3A_24 = arith.constant 640 : i32
      %mul3A_25 = arith.muli %arg1, %mul3A_24 : i32
      "tpu.region"() ({
        %run_scoped3A = tpu.sem_alloc : memref<!tpu.dma_semaphore, #tpu.memory_space<semaphore_mem>>
        %dma_start3A_26 = tpu.memref_slice %arg4[%mul3A_25] : memref<10240xi32, #tpu.memory_space<hbm>> -> memref<640xi32, #tpu.memory_space<hbm>>
        %dma_start3A_27 = tpu.memref_slice %arg9[%mul3A_23] : memref<10240xi32, #tpu.memory_space<vmem_shared>> -> memref<640xi32, #tpu.memory_space<vmem_shared>>
        tpu.enqueue_dma source(%dma_start3A_27 : memref<640xi32, #tpu.memory_space<vmem_shared>>) target(%dma_start3A_26 : memref<640xi32, #tpu.memory_space<hbm>>) target_semaphore(%run_scoped3A : memref<!tpu.dma_semaphore, #tpu.memory_space<semaphore_mem>>)
        %dma_wait3A_28 = tpu.memref_slice %arg4[%mul3A_25] : memref<10240xi32, #tpu.memory_space<hbm>> -> memref<640xi32, #tpu.memory_space<hbm>>
        %dma_wait3A_29 = tpu.memref_slice %arg9[%mul3A_23] : memref<10240xi32, #tpu.memory_space<vmem_shared>> -> memref<640xi32, #tpu.memory_space<vmem_shared>>
        tpu.wait_dma2 semaphore(%run_scoped3A : memref<!tpu.dma_semaphore, #tpu.memory_space<semaphore_mem>>) src(%dma_wait3A_29 : memref<640xi32, #tpu.memory_space<vmem_shared>>) dst(%dma_wait3A_28 : memref<640xi32, #tpu.memory_space<hbm>>)
        tpu.yield
      }) : () -> ()
    } else {
    }
    %eq3A_17 = arith.constant 1 : i32
    %eq3A_18 = arith.cmpi eq, %arg0, %eq3A_17 : i32
    %convert_element_type3A_19 = arith.extui %eq3A_18 : i1 to i32
    %cond3A_20 = arith.constant 0 : i32
    %cond3A_21 = arith.cmpi ne, %convert_element_type3A_19, %cond3A_20 : i32
    scf.if %cond3A_21 {
      %mul3A_22 = arith.constant 640 : i32
      %mul3A_23 = arith.muli %arg1, %mul3A_22 : i32
      %mul3A_24 = arith.constant 640 : i32
      %mul3A_25 = arith.muli %arg1, %mul3A_24 : i32
      "tpu.region"() ({
        %run_scoped3A = tpu.sem_alloc : memref<!tpu.dma_semaphore, #tpu.memory_space<semaphore_mem>>
        %dma_start3A_26 = tpu.memref_slice %arg5[%mul3A_25] : memref<10240xi32, #tpu.memory_space<hbm>> -> memref<640xi32, #tpu.memory_space<hbm>>
        %dma_start3A_27 = tpu.memref_slice %arg9[%mul3A_23] : memref<10240xi32, #tpu.memory_space<vmem_shared>> -> memref<640xi32, #tpu.memory_space<vmem_shared>>
        tpu.enqueue_dma source(%dma_start3A_27 : memref<640xi32, #tpu.memory_space<vmem_shared>>) target(%dma_start3A_26 : memref<640xi32, #tpu.memory_space<hbm>>) target_semaphore(%run_scoped3A : memref<!tpu.dma_semaphore, #tpu.memory_space<semaphore_mem>>)
        %dma_wait3A_28 = tpu.memref_slice %arg5[%mul3A_25] : memref<10240xi32, #tpu.memory_space<hbm>> -> memref<640xi32, #tpu.memory_space<hbm>>
        %dma_wait3A_29 = tpu.memref_slice %arg9[%mul3A_23] : memref<10240xi32, #tpu.memory_space<vmem_shared>> -> memref<640xi32, #tpu.memory_space<vmem_shared>>
        tpu.wait_dma2 semaphore(%run_scoped3A : memref<!tpu.dma_semaphore, #tpu.memory_space<semaphore_mem>>) src(%dma_wait3A_29 : memref<640xi32, #tpu.memory_space<vmem_shared>>) dst(%dma_wait3A_28 : memref<640xi32, #tpu.memory_space<hbm>>)
        tpu.yield
      }) : () -> ()
    } else {
    }
    return
  }
}

module attributes {stable_mosaic.version = 14 : i64} {
  func.func @_lookup_body(%arg0: i32, %arg1: memref<16x128xi32, #tpu.memory_space<vmem>>, %arg2: memref<16x128xi32, #tpu.memory_space<vmem>>, %arg3: memref<2048x128xf32, #tpu.memory_space<vmem>>, %arg4: memref<512x64xf32, #tpu.memory_space<vmem>>, %arg5: memref<2048x192xf32, #tpu.memory_space<vmem>>) attributes {dimension_semantics = [#tpu.dimension_semantics<arbitrary>], iteration_bounds = array<i64: 5>, scalar_prefetch = 0 : i64, scratch_operands = 0 : i64, tpu.core_type = #tpu.core_type<tc>, window_params = [{transform_indices = @transform_0, window_bounds = array<i64: 16, 128>}, {transform_indices = @transform_1, window_bounds = array<i64: 16, 128>}, {transform_indices = @transform_2, window_bounds = array<i64: 2048, 128>}, {pipeline_mode = #tpu.pipeline_mode<synchronous>, transform_indices = @transform_3, window_bounds = array<i64: 512, 64>}, {transform_indices = @transform_4, window_bounds = array<i64: 2048, 192>}]} {
    %get3A = arith.constant 0 : index
    %get3A_0 = arith.constant 0 : index
    %get3A_1 = vector.load %arg3[%get3A, %get3A_0] : memref<2048x128xf32, #tpu.memory_space<vmem>>, vector<2048x128xf32>
    %swap3A = arith.constant 0 : index
    %swap3A_2 = arith.constant 0 : index
    %swap3A_3 = vector.load %arg5[%swap3A, %swap3A_2] : memref<2048x192xf32, #tpu.memory_space<vmem>>, vector<2048x128xf32>
    tpu.vector_store %arg5[%swap3A, %swap3A_2], %get3A_1 {strides = array<i32>} : memref<2048x192xf32, #tpu.memory_space<vmem>>, vector<2048x128xf32>,
    %get3A_4 = arith.constant 0 : index
    %get3A_5 = arith.constant 0 : index
    %get3A_6 = vector.load %arg4[%get3A_4, %get3A_5] : memref<512x64xf32, #tpu.memory_space<vmem>>, vector<512x64xf32>
    %convert_element_type3A = arith.truncf %get3A_6 : vector<512x64xf32> to vector<512x64xbf16>
    %get3A_7 = arith.constant 0 : index
    %get3A_8 = arith.constant 0 : index
    %get3A_9 = vector.load %arg1[%get3A_7, %get3A_8] : memref<16x128xi32, #tpu.memory_space<vmem>>, vector<16x128xi32>
    %get3A_10 = arith.constant 0 : index
    %get3A_11 = arith.constant 0 : index
    %get3A_12 = vector.load %arg2[%get3A_10, %get3A_11] : memref<16x128xi32, #tpu.memory_space<vmem>>, vector<16x128xi32>
    %add3A = arith.addi %get3A_9, %get3A_12 : vector<16x128xi32>
    %min3A = arith.constant 511 : i32
    %min3A_13 = vector.broadcast %min3A : i32 to vector<16x128xi32>
    %min3A_14 = arith.minsi %add3A, %min3A_13 : vector<16x128xi32>
    %iota3A = tpu.iota {dimensions = array<i32: 0>} : vector<512x128xi32>
    %slice3A = vector.extract_strided_slice %min3A_14 {offsets = [0, 0], sizes = [1, 128], strides = [1, 1]} : vector<16x128xi32> to vector<1x128xi32>
    %broadcast_in_dim3A = vector.shape_cast %slice3A : vector<1x128xi32> to vector<1x128xi32>
    %broadcast_in_dim3A_15 = vector.broadcast %broadcast_in_dim3A : vector<1x128xi32> to vector<512x128xi32>
    %eq3A = arith.cmpi eq, %broadcast_in_dim3A_15, %iota3A : vector<512x128xi32>
    %convert_element_type3A_16 = arith.extui %eq3A : vector<512x128xi1> to vector<512x128xi32>
    %convert_element_type3A_17 = arith.sitofp %convert_element_type3A_16 : vector<512x128xi32> to vector<512x128xf32>
    %convert_element_type3A_18 = arith.truncf %convert_element_type3A_17 : vector<512x128xf32> to vector<512x128xbf16>
    %dot_general3A = arith.constant dense<0.000000e+00> : vector<128x64xf32>
    %dot_general3A_19 = tpu.matmul %convert_element_type3A_18, %convert_element_type3A, %dot_general3A {dimension_numbers = #tpu.dot_dimension_numbers<[0], [0], [1], [1], [0, 1, 1, 1], [], []>, transpose_lhs_hint = false} : vector<512x128xbf16>, vector<512x64xbf16>, vector<128x64xf32> -> vector<128x64xf32>
    %swap3A_20 = arith.constant 0 : index
    %swap3A_21 = arith.constant 128 : index
    %swap3A_22 = vector.load %arg5[%swap3A_20, %swap3A_21] : memref<2048x192xf32, #tpu.memory_space<vmem>>, vector<128x64xf32>
    tpu.vector_store %arg5[%swap3A_20, %swap3A_21], %dot_general3A_19 {strides = array<i32>} : memref<2048x192xf32, #tpu.memory_space<vmem>>, vector<128x64xf32>,
    %slice3A_23 = vector.extract_strided_slice %min3A_14 {offsets = [1, 0], sizes = [1, 128], strides = [1, 1]} : vector<16x128xi32> to vector<1x128xi32>
    %broadcast_in_dim3A_24 = vector.shape_cast %slice3A_23 : vector<1x128xi32> to vector<1x128xi32>
    %broadcast_in_dim3A_25 = vector.broadcast %broadcast_in_dim3A_24 : vector<1x128xi32> to vector<512x128xi32>
    %eq3A_26 = arith.cmpi eq, %broadcast_in_dim3A_25, %iota3A : vector<512x128xi32>
    %convert_element_type3A_27 = arith.extui %eq3A_26 : vector<512x128xi1> to vector<512x128xi32>
    %convert_element_type3A_28 = arith.sitofp %convert_element_type3A_27 : vector<512x128xi32> to vector<512x128xf32>
    %convert_element_type3A_29 = arith.truncf %convert_element_type3A_28 : vector<512x128xf32> to vector<512x128xbf16>
    %dot_general3A_30 = arith.constant dense<0.000000e+00> : vector<128x64xf32>
    %dot_general3A_31 = tpu.matmul %convert_element_type3A_29, %convert_element_type3A, %dot_general3A_30 {dimension_numbers = #tpu.dot_dimension_numbers<[0], [0], [1], [1], [0, 1, 1, 1], [], []>, transpose_lhs_hint = false} : vector<512x128xbf16>, vector<512x64xbf16>, vector<128x64xf32> -> vector<128x64xf32>
    %swap3A_32 = arith.constant 128 : index
    %swap3A_33 = arith.constant 128 : index
    %swap3A_34 = vector.load %arg5[%swap3A_32, %swap3A_33] : memref<2048x192xf32, #tpu.memory_space<vmem>>, vector<128x64xf32>
    tpu.vector_store %arg5[%swap3A_32, %swap3A_33], %dot_general3A_31 {strides = array<i32>} : memref<2048x192xf32, #tpu.memory_space<vmem>>, vector<128x64xf32>,
    %slice3A_35 = vector.extract_strided_slice %min3A_14 {offsets = [2, 0], sizes = [1, 128], strides = [1, 1]} : vector<16x128xi32> to vector<1x128xi32>
    %broadcast_in_dim3A_36 = vector.shape_cast %slice3A_35 : vector<1x128xi32> to vector<1x128xi32>
    %broadcast_in_dim3A_37 = vector.broadcast %broadcast_in_dim3A_36 : vector<1x128xi32> to vector<512x128xi32>
    %eq3A_38 = arith.cmpi eq, %broadcast_in_dim3A_37, %iota3A : vector<512x128xi32>
    %convert_element_type3A_39 = arith.extui %eq3A_38 : vector<512x128xi1> to vector<512x128xi32>
    %convert_element_type3A_40 = arith.sitofp %convert_element_type3A_39 : vector<512x128xi32> to vector<512x128xf32>
    %convert_element_type3A_41 = arith.truncf %convert_element_type3A_40 : vector<512x128xf32> to vector<512x128xbf16>
    %dot_general3A_42 = arith.constant dense<0.000000e+00> : vector<128x64xf32>
    %dot_general3A_43 = tpu.matmul %convert_element_type3A_41, %convert_element_type3A, %dot_general3A_42 {dimension_numbers = #tpu.dot_dimension_numbers<[0], [0], [1], [1], [0, 1, 1, 1], [], []>, transpose_lhs_hint = false} : vector<512x128xbf16>, vector<512x64xbf16>, vector<128x64xf32> -> vector<128x64xf32>
    %swap3A_44 = arith.constant 256 : index
    %swap3A_45 = arith.constant 128 : index
    %swap3A_46 = vector.load %arg5[%swap3A_44, %swap3A_45] : memref<2048x192xf32, #tpu.memory_space<vmem>>, vector<128x64xf32>
    tpu.vector_store %arg5[%swap3A_44, %swap3A_45], %dot_general3A_43 {strides = array<i32>} : memref<2048x192xf32, #tpu.memory_space<vmem>>, vector<128x64xf32>,
    %slice3A_47 = vector.extract_strided_slice %min3A_14 {offsets = [3, 0], sizes = [1, 128], strides = [1, 1]} : vector<16x128xi32> to vector<1x128xi32>
    %broadcast_in_dim3A_48 = vector.shape_cast %slice3A_47 : vector<1x128xi32> to vector<1x128xi32>
    %broadcast_in_dim3A_49 = vector.broadcast %broadcast_in_dim3A_48 : vector<1x128xi32> to vector<512x128xi32>
    %eq3A_50 = arith.cmpi eq, %broadcast_in_dim3A_49, %iota3A : vector<512x128xi32>
    %convert_element_type3A_51 = arith.extui %eq3A_50 : vector<512x128xi1> to vector<512x128xi32>
    %convert_element_type3A_52 = arith.sitofp %convert_element_type3A_51 : vector<512x128xi32> to vector<512x128xf32>
    %convert_element_type3A_53 = arith.truncf %convert_element_type3A_52 : vector<512x128xf32> to vector<512x128xbf16>
    %dot_general3A_54 = arith.constant dense<0.000000e+00> : vector<128x64xf32>
    %dot_general3A_55 = tpu.matmul %convert_element_type3A_53, %convert_element_type3A, %dot_general3A_54 {dimension_numbers = #tpu.dot_dimension_numbers<[0], [0], [1], [1], [0, 1, 1, 1], [], []>, transpose_lhs_hint = false} : vector<512x128xbf16>, vector<512x64xbf16>, vector<128x64xf32> -> vector<128x64xf32>
    %swap3A_56 = arith.constant 384 : index
    %swap3A_57 = arith.constant 128 : index
    %swap3A_58 = vector.load %arg5[%swap3A_56, %swap3A_57] : memref<2048x192xf32, #tpu.memory_space<vmem>>, vector<128x64xf32>
    tpu.vector_store %arg5[%swap3A_56, %swap3A_57], %dot_general3A_55 {strides = array<i32>} : memref<2048x192xf32, #tpu.memory_space<vmem>>, vector<128x64xf32>,
    %slice3A_59 = vector.extract_strided_slice %min3A_14 {offsets = [4, 0], sizes = [1, 128], strides = [1, 1]} : vector<16x128xi32> to vector<1x128xi32>
    %broadcast_in_dim3A_60 = vector.shape_cast %slice3A_59 : vector<1x128xi32> to vector<1x128xi32>
    %broadcast_in_dim3A_61 = vector.broadcast %broadcast_in_dim3A_60 : vector<1x128xi32> to vector<512x128xi32>
    %eq3A_62 = arith.cmpi eq, %broadcast_in_dim3A_61, %iota3A : vector<512x128xi32>
    %convert_element_type3A_63 = arith.extui %eq3A_62 : vector<512x128xi1> to vector<512x128xi32>
    %convert_element_type3A_64 = arith.sitofp %convert_element_type3A_63 : vector<512x128xi32> to vector<512x128xf32>
    %convert_element_type3A_65 = arith.truncf %convert_element_type3A_64 : vector<512x128xf32> to vector<512x128xbf16>
    %dot_general3A_66 = arith.constant dense<0.000000e+00> : vector<128x64xf32>
    %dot_general3A_67 = tpu.matmul %convert_element_type3A_65, %convert_element_type3A, %dot_general3A_66 {dimension_numbers = #tpu.dot_dimension_numbers<[0], [0], [1], [1], [0, 1, 1, 1], [], []>, transpose_lhs_hint = false} : vector<512x128xbf16>, vector<512x64xbf16>, vector<128x64xf32> -> vector<128x64xf32>
    %swap3A_68 = arith.constant 512 : index
    %swap3A_69 = arith.constant 128 : index
    %swap3A_70 = vector.load %arg5[%swap3A_68, %swap3A_69] : memref<2048x192xf32, #tpu.memory_space<vmem>>, vector<128x64xf32>
    tpu.vector_store %arg5[%swap3A_68, %swap3A_69], %dot_general3A_67 {strides = array<i32>} : memref<2048x192xf32, #tpu.memory_space<vmem>>, vector<128x64xf32>,
    %slice3A_71 = vector.extract_strided_slice %min3A_14 {offsets = [5, 0], sizes = [1, 128], strides = [1, 1]} : vector<16x128xi32> to vector<1x128xi32>
    %broadcast_in_dim3A_72 = vector.shape_cast %slice3A_71 : vector<1x128xi32> to vector<1x128xi32>
    %broadcast_in_dim3A_73 = vector.broadcast %broadcast_in_dim3A_72 : vector<1x128xi32> to vector<512x128xi32>
    %eq3A_74 = arith.cmpi eq, %broadcast_in_dim3A_73, %iota3A : vector<512x128xi32>
    %convert_element_type3A_75 = arith.extui %eq3A_74 : vector<512x128xi1> to vector<512x128xi32>
    %convert_element_type3A_76 = arith.sitofp %convert_element_type3A_75 : vector<512x128xi32> to vector<512x128xf32>
    %convert_element_type3A_77 = arith.truncf %convert_element_type3A_76 : vector<512x128xf32> to vector<512x128xbf16>
    %dot_general3A_78 = arith.constant dense<0.000000e+00> : vector<128x64xf32>
    %dot_general3A_79 = tpu.matmul %convert_element_type3A_77, %convert_element_type3A, %dot_general3A_78 {dimension_numbers = #tpu.dot_dimension_numbers<[0], [0], [1], [1], [0, 1, 1, 1], [], []>, transpose_lhs_hint = false} : vector<512x128xbf16>, vector<512x64xbf16>, vector<128x64xf32> -> vector<128x64xf32>
    %swap3A_80 = arith.constant 640 : index
    %swap3A_81 = arith.constant 128 : index
    %swap3A_82 = vector.load %arg5[%swap3A_80, %swap3A_81] : memref<2048x192xf32, #tpu.memory_space<vmem>>, vector<128x64xf32>
    tpu.vector_store %arg5[%swap3A_80, %swap3A_81], %dot_general3A_79 {strides = array<i32>} : memref<2048x192xf32, #tpu.memory_space<vmem>>, vector<128x64xf32>,
    %slice3A_83 = vector.extract_strided_slice %min3A_14 {offsets = [6, 0], sizes = [1, 128], strides = [1, 1]} : vector<16x128xi32> to vector<1x128xi32>
    %broadcast_in_dim3A_84 = vector.shape_cast %slice3A_83 : vector<1x128xi32> to vector<1x128xi32>
    %broadcast_in_dim3A_85 = vector.broadcast %broadcast_in_dim3A_84 : vector<1x128xi32> to vector<512x128xi32>
    %eq3A_86 = arith.cmpi eq, %broadcast_in_dim3A_85, %iota3A : vector<512x128xi32>
    %convert_element_type3A_87 = arith.extui %eq3A_86 : vector<512x128xi1> to vector<512x128xi32>
    %convert_element_type3A_88 = arith.sitofp %convert_element_type3A_87 : vector<512x128xi32> to vector<512x128xf32>
    %convert_element_type3A_89 = arith.truncf %convert_element_type3A_88 : vector<512x128xf32> to vector<512x128xbf16>
    %dot_general3A_90 = arith.constant dense<0.000000e+00> : vector<128x64xf32>
    %dot_general3A_91 = tpu.matmul %convert_element_type3A_89, %convert_element_type3A, %dot_general3A_90 {dimension_numbers = #tpu.dot_dimension_numbers<[0], [0], [1], [1], [0, 1, 1, 1], [], []>, transpose_lhs_hint = false} : vector<512x128xbf16>, vector<512x64xbf16>, vector<128x64xf32> -> vector<128x64xf32>
    %swap3A_92 = arith.constant 768 : index
    %swap3A_93 = arith.constant 128 : index
    %swap3A_94 = vector.load %arg5[%swap3A_92, %swap3A_93] : memref<2048x192xf32, #tpu.memory_space<vmem>>, vector<128x64xf32>
    tpu.vector_store %arg5[%swap3A_92, %swap3A_93], %dot_general3A_91 {strides = array<i32>} : memref<2048x192xf32, #tpu.memory_space<vmem>>, vector<128x64xf32>,
    %slice3A_95 = vector.extract_strided_slice %min3A_14 {offsets = [7, 0], sizes = [1, 128], strides = [1, 1]} : vector<16x128xi32> to vector<1x128xi32>
    %broadcast_in_dim3A_96 = vector.shape_cast %slice3A_95 : vector<1x128xi32> to vector<1x128xi32>
    %broadcast_in_dim3A_97 = vector.broadcast %broadcast_in_dim3A_96 : vector<1x128xi32> to vector<512x128xi32>
    %eq3A_98 = arith.cmpi eq, %broadcast_in_dim3A_97, %iota3A : vector<512x128xi32>
    %convert_element_type3A_99 = arith.extui %eq3A_98 : vector<512x128xi1> to vector<512x128xi32>
    %convert_element_type3A_100 = arith.sitofp %convert_element_type3A_99 : vector<512x128xi32> to vector<512x128xf32>
    %convert_element_type3A_101 = arith.truncf %convert_element_type3A_100 : vector<512x128xf32> to vector<512x128xbf16>
    %dot_general3A_102 = arith.constant dense<0.000000e+00> : vector<128x64xf32>
    %dot_general3A_103 = tpu.matmul %convert_element_type3A_101, %convert_element_type3A, %dot_general3A_102 {dimension_numbers = #tpu.dot_dimension_numbers<[0], [0], [1], [1], [0, 1, 1, 1], [], []>, transpose_lhs_hint = false} : vector<512x128xbf16>, vector<512x64xbf16>, vector<128x64xf32> -> vector<128x64xf32>
    %swap3A_104 = arith.constant 896 : index
    %swap3A_105 = arith.constant 128 : index
    %swap3A_106 = vector.load %arg5[%swap3A_104, %swap3A_105] : memref<2048x192xf32, #tpu.memory_space<vmem>>, vector<128x64xf32>
    tpu.vector_store %arg5[%swap3A_104, %swap3A_105], %dot_general3A_103 {strides = array<i32>} : memref<2048x192xf32, #tpu.memory_space<vmem>>, vector<128x64xf32>,
    %slice3A_107 = vector.extract_strided_slice %min3A_14 {offsets = [8, 0], sizes = [1, 128], strides = [1, 1]} : vector<16x128xi32> to vector<1x128xi32>
    %broadcast_in_dim3A_108 = vector.shape_cast %slice3A_107 : vector<1x128xi32> to vector<1x128xi32>
    %broadcast_in_dim3A_109 = vector.broadcast %broadcast_in_dim3A_108 : vector<1x128xi32> to vector<512x128xi32>
    %eq3A_110 = arith.cmpi eq, %broadcast_in_dim3A_109, %iota3A : vector<512x128xi32>
    %convert_element_type3A_111 = arith.extui %eq3A_110 : vector<512x128xi1> to vector<512x128xi32>
    %convert_element_type3A_112 = arith.sitofp %convert_element_type3A_111 : vector<512x128xi32> to vector<512x128xf32>
    %convert_element_type3A_113 = arith.truncf %convert_element_type3A_112 : vector<512x128xf32> to vector<512x128xbf16>
    %dot_general3A_114 = arith.constant dense<0.000000e+00> : vector<128x64xf32>
    %dot_general3A_115 = tpu.matmul %convert_element_type3A_113, %convert_element_type3A, %dot_general3A_114 {dimension_numbers = #tpu.dot_dimension_numbers<[0], [0], [1], [1], [0, 1, 1, 1], [], []>, transpose_lhs_hint = false} : vector<512x128xbf16>, vector<512x64xbf16>, vector<128x64xf32> -> vector<128x64xf32>
    %swap3A_116 = arith.constant 1024 : index
    %swap3A_117 = arith.constant 128 : index
    %swap3A_118 = vector.load %arg5[%swap3A_116, %swap3A_117] : memref<2048x192xf32, #tpu.memory_space<vmem>>, vector<128x64xf32>
    tpu.vector_store %arg5[%swap3A_116, %swap3A_117], %dot_general3A_115 {strides = array<i32>} : memref<2048x192xf32, #tpu.memory_space<vmem>>, vector<128x64xf32>,
    %slice3A_119 = vector.extract_strided_slice %min3A_14 {offsets = [9, 0], sizes = [1, 128], strides = [1, 1]} : vector<16x128xi32> to vector<1x128xi32>
    %broadcast_in_dim3A_120 = vector.shape_cast %slice3A_119 : vector<1x128xi32> to vector<1x128xi32>
    %broadcast_in_dim3A_121 = vector.broadcast %broadcast_in_dim3A_120 : vector<1x128xi32> to vector<512x128xi32>
    %eq3A_122 = arith.cmpi eq, %broadcast_in_dim3A_121, %iota3A : vector<512x128xi32>
    %convert_element_type3A_123 = arith.extui %eq3A_122 : vector<512x128xi1> to vector<512x128xi32>
    %convert_element_type3A_124 = arith.sitofp %convert_element_type3A_123 : vector<512x128xi32> to vector<512x128xf32>
    %convert_element_type3A_125 = arith.truncf %convert_element_type3A_124 : vector<512x128xf32> to vector<512x128xbf16>
    %dot_general3A_126 = arith.constant dense<0.000000e+00> : vector<128x64xf32>
    %dot_general3A_127 = tpu.matmul %convert_element_type3A_125, %convert_element_type3A, %dot_general3A_126 {dimension_numbers = #tpu.dot_dimension_numbers<[0], [0], [1], [1], [0, 1, 1, 1], [], []>, transpose_lhs_hint = false} : vector<512x128xbf16>, vector<512x64xbf16>, vector<128x64xf32> -> vector<128x64xf32>
    %swap3A_128 = arith.constant 1152 : index
    %swap3A_129 = arith.constant 128 : index
    %swap3A_130 = vector.load %arg5[%swap3A_128, %swap3A_129] : memref<2048x192xf32, #tpu.memory_space<vmem>>, vector<128x64xf32>
    tpu.vector_store %arg5[%swap3A_128, %swap3A_129], %dot_general3A_127 {strides = array<i32>} : memref<2048x192xf32, #tpu.memory_space<vmem>>, vector<128x64xf32>,
    %slice3A_131 = vector.extract_strided_slice %min3A_14 {offsets = [10, 0], sizes = [1, 128], strides = [1, 1]} : vector<16x128xi32> to vector<1x128xi32>
    %broadcast_in_dim3A_132 = vector.shape_cast %slice3A_131 : vector<1x128xi32> to vector<1x128xi32>
    %broadcast_in_dim3A_133 = vector.broadcast %broadcast_in_dim3A_132 : vector<1x128xi32> to vector<512x128xi32>
    %eq3A_134 = arith.cmpi eq, %broadcast_in_dim3A_133, %iota3A : vector<512x128xi32>
    %convert_element_type3A_135 = arith.extui %eq3A_134 : vector<512x128xi1> to vector<512x128xi32>
    %convert_element_type3A_136 = arith.sitofp %convert_element_type3A_135 : vector<512x128xi32> to vector<512x128xf32>
    %convert_element_type3A_137 = arith.truncf %convert_element_type3A_136 : vector<512x128xf32> to vector<512x128xbf16>
    %dot_general3A_138 = arith.constant dense<0.000000e+00> : vector<128x64xf32>
    %dot_general3A_139 = tpu.matmul %convert_element_type3A_137, %convert_element_type3A, %dot_general3A_138 {dimension_numbers = #tpu.dot_dimension_numbers<[0], [0], [1], [1], [0, 1, 1, 1], [], []>, transpose_lhs_hint = false} : vector<512x128xbf16>, vector<512x64xbf16>, vector<128x64xf32> -> vector<128x64xf32>
    %swap3A_140 = arith.constant 1280 : index
    %swap3A_141 = arith.constant 128 : index
    %swap3A_142 = vector.load %arg5[%swap3A_140, %swap3A_141] : memref<2048x192xf32, #tpu.memory_space<vmem>>, vector<128x64xf32>
    tpu.vector_store %arg5[%swap3A_140, %swap3A_141], %dot_general3A_139 {strides = array<i32>} : memref<2048x192xf32, #tpu.memory_space<vmem>>, vector<128x64xf32>,
    %slice3A_143 = vector.extract_strided_slice %min3A_14 {offsets = [11, 0], sizes = [1, 128], strides = [1, 1]} : vector<16x128xi32> to vector<1x128xi32>
    %broadcast_in_dim3A_144 = vector.shape_cast %slice3A_143 : vector<1x128xi32> to vector<1x128xi32>
    %broadcast_in_dim3A_145 = vector.broadcast %broadcast_in_dim3A_144 : vector<1x128xi32> to vector<512x128xi32>
    %eq3A_146 = arith.cmpi eq, %broadcast_in_dim3A_145, %iota3A : vector<512x128xi32>
    %convert_element_type3A_147 = arith.extui %eq3A_146 : vector<512x128xi1> to vector<512x128xi32>
    %convert_element_type3A_148 = arith.sitofp %convert_element_type3A_147 : vector<512x128xi32> to vector<512x128xf32>
    %convert_element_type3A_149 = arith.truncf %convert_element_type3A_148 : vector<512x128xf32> to vector<512x128xbf16>
    %dot_general3A_150 = arith.constant dense<0.000000e+00> : vector<128x64xf32>
    %dot_general3A_151 = tpu.matmul %convert_element_type3A_149, %convert_element_type3A, %dot_general3A_150 {dimension_numbers = #tpu.dot_dimension_numbers<[0], [0], [1], [1], [0, 1, 1, 1], [], []>, transpose_lhs_hint = false} : vector<512x128xbf16>, vector<512x64xbf16>, vector<128x64xf32> -> vector<128x64xf32>
    %swap3A_152 = arith.constant 1408 : index
    %swap3A_153 = arith.constant 128 : index
    %swap3A_154 = vector.load %arg5[%swap3A_152, %swap3A_153] : memref<2048x192xf32, #tpu.memory_space<vmem>>, vector<128x64xf32>
    tpu.vector_store %arg5[%swap3A_152, %swap3A_153], %dot_general3A_151 {strides = array<i32>} : memref<2048x192xf32, #tpu.memory_space<vmem>>, vector<128x64xf32>,
    %slice3A_155 = vector.extract_strided_slice %min3A_14 {offsets = [12, 0], sizes = [1, 128], strides = [1, 1]} : vector<16x128xi32> to vector<1x128xi32>
    %broadcast_in_dim3A_156 = vector.shape_cast %slice3A_155 : vector<1x128xi32> to vector<1x128xi32>
    %broadcast_in_dim3A_157 = vector.broadcast %broadcast_in_dim3A_156 : vector<1x128xi32> to vector<512x128xi32>
    %eq3A_158 = arith.cmpi eq, %broadcast_in_dim3A_157, %iota3A : vector<512x128xi32>
    %convert_element_type3A_159 = arith.extui %eq3A_158 : vector<512x128xi1> to vector<512x128xi32>
    %convert_element_type3A_160 = arith.sitofp %convert_element_type3A_159 : vector<512x128xi32> to vector<512x128xf32>
    %convert_element_type3A_161 = arith.truncf %convert_element_type3A_160 : vector<512x128xf32> to vector<512x128xbf16>
    %dot_general3A_162 = arith.constant dense<0.000000e+00> : vector<128x64xf32>
    %dot_general3A_163 = tpu.matmul %convert_element_type3A_161, %convert_element_type3A, %dot_general3A_162 {dimension_numbers = #tpu.dot_dimension_numbers<[0], [0], [1], [1], [0, 1, 1, 1], [], []>, transpose_lhs_hint = false} : vector<512x128xbf16>, vector<512x64xbf16>, vector<128x64xf32> -> vector<128x64xf32>
    %swap3A_164 = arith.constant 1536 : index
    %swap3A_165 = arith.constant 128 : index
    %swap3A_166 = vector.load %arg5[%swap3A_164, %swap3A_165] : memref<2048x192xf32, #tpu.memory_space<vmem>>, vector<128x64xf32>
    tpu.vector_store %arg5[%swap3A_164, %swap3A_165], %dot_general3A_163 {strides = array<i32>} : memref<2048x192xf32, #tpu.memory_space<vmem>>, vector<128x64xf32>,
    %slice3A_167 = vector.extract_strided_slice %min3A_14 {offsets = [13, 0], sizes = [1, 128], strides = [1, 1]} : vector<16x128xi32> to vector<1x128xi32>
    %broadcast_in_dim3A_168 = vector.shape_cast %slice3A_167 : vector<1x128xi32> to vector<1x128xi32>
    %broadcast_in_dim3A_169 = vector.broadcast %broadcast_in_dim3A_168 : vector<1x128xi32> to vector<512x128xi32>
    %eq3A_170 = arith.cmpi eq, %broadcast_in_dim3A_169, %iota3A : vector<512x128xi32>
    %convert_element_type3A_171 = arith.extui %eq3A_170 : vector<512x128xi1> to vector<512x128xi32>
    %convert_element_type3A_172 = arith.sitofp %convert_element_type3A_171 : vector<512x128xi32> to vector<512x128xf32>
    %convert_element_type3A_173 = arith.truncf %convert_element_type3A_172 : vector<512x128xf32> to vector<512x128xbf16>
    %dot_general3A_174 = arith.constant dense<0.000000e+00> : vector<128x64xf32>
    %dot_general3A_175 = tpu.matmul %convert_element_type3A_173, %convert_element_type3A, %dot_general3A_174 {dimension_numbers = #tpu.dot_dimension_numbers<[0], [0], [1], [1], [0, 1, 1, 1], [], []>, transpose_lhs_hint = false} : vector<512x128xbf16>, vector<512x64xbf16>, vector<128x64xf32> -> vector<128x64xf32>
    %swap3A_176 = arith.constant 1664 : index
    %swap3A_177 = arith.constant 128 : index
    %swap3A_178 = vector.load %arg5[%swap3A_176, %swap3A_177] : memref<2048x192xf32, #tpu.memory_space<vmem>>, vector<128x64xf32>
    tpu.vector_store %arg5[%swap3A_176, %swap3A_177], %dot_general3A_175 {strides = array<i32>} : memref<2048x192xf32, #tpu.memory_space<vmem>>, vector<128x64xf32>,
    %slice3A_179 = vector.extract_strided_slice %min3A_14 {offsets = [14, 0], sizes = [1, 128], strides = [1, 1]} : vector<16x128xi32> to vector<1x128xi32>
    %broadcast_in_dim3A_180 = vector.shape_cast %slice3A_179 : vector<1x128xi32> to vector<1x128xi32>
    %broadcast_in_dim3A_181 = vector.broadcast %broadcast_in_dim3A_180 : vector<1x128xi32> to vector<512x128xi32>
    %eq3A_182 = arith.cmpi eq, %broadcast_in_dim3A_181, %iota3A : vector<512x128xi32>
    %convert_element_type3A_183 = arith.extui %eq3A_182 : vector<512x128xi1> to vector<512x128xi32>
    %convert_element_type3A_184 = arith.sitofp %convert_element_type3A_183 : vector<512x128xi32> to vector<512x128xf32>
    %convert_element_type3A_185 = arith.truncf %convert_element_type3A_184 : vector<512x128xf32> to vector<512x128xbf16>
    %dot_general3A_186 = arith.constant dense<0.000000e+00> : vector<128x64xf32>
    %dot_general3A_187 = tpu.matmul %convert_element_type3A_185, %convert_element_type3A, %dot_general3A_186 {dimension_numbers = #tpu.dot_dimension_numbers<[0], [0], [1], [1], [0, 1, 1, 1], [], []>, transpose_lhs_hint = false} : vector<512x128xbf16>, vector<512x64xbf16>, vector<128x64xf32> -> vector<128x64xf32>
    %swap3A_188 = arith.constant 1792 : index
    %swap3A_189 = arith.constant 128 : index
    %swap3A_190 = vector.load %arg5[%swap3A_188, %swap3A_189] : memref<2048x192xf32, #tpu.memory_space<vmem>>, vector<128x64xf32>
    tpu.vector_store %arg5[%swap3A_188, %swap3A_189], %dot_general3A_187 {strides = array<i32>} : memref<2048x192xf32, #tpu.memory_space<vmem>>, vector<128x64xf32>,
    %slice3A_191 = vector.extract_strided_slice %min3A_14 {offsets = [15, 0], sizes = [1, 128], strides = [1, 1]} : vector<16x128xi32> to vector<1x128xi32>
    %broadcast_in_dim3A_192 = vector.shape_cast %slice3A_191 : vector<1x128xi32> to vector<1x128xi32>
    %broadcast_in_dim3A_193 = vector.broadcast %broadcast_in_dim3A_192 : vector<1x128xi32> to vector<512x128xi32>
    %eq3A_194 = arith.cmpi eq, %broadcast_in_dim3A_193, %iota3A : vector<512x128xi32>
    %convert_element_type3A_195 = arith.extui %eq3A_194 : vector<512x128xi1> to vector<512x128xi32>
    %convert_element_type3A_196 = arith.sitofp %convert_element_type3A_195 : vector<512x128xi32> to vector<512x128xf32>
    %convert_element_type3A_197 = arith.truncf %convert_element_type3A_196 : vector<512x128xf32> to vector<512x128xbf16>
    %dot_general3A_198 = arith.constant dense<0.000000e+00> : vector<128x64xf32>
    %dot_general3A_199 = tpu.matmul %convert_element_type3A_197, %convert_element_type3A, %dot_general3A_198 {dimension_numbers = #tpu.dot_dimension_numbers<[0], [0], [1], [1], [0, 1, 1, 1], [], []>, transpose_lhs_hint = false} : vector<512x128xbf16>, vector<512x64xbf16>, vector<128x64xf32> -> vector<128x64xf32>
    %swap3A_200 = arith.constant 1920 : index
    %swap3A_201 = arith.constant 128 : index
    %swap3A_202 = vector.load %arg5[%swap3A_200, %swap3A_201] : memref<2048x192xf32, #tpu.memory_space<vmem>>, vector<128x64xf32>
    tpu.vector_store %arg5[%swap3A_200, %swap3A_201], %dot_general3A_199 {strides = array<i32>} : memref<2048x192xf32, #tpu.memory_space<vmem>>, vector<128x64xf32>,
    return
  }
  func.func @transform_0(%arg0: i32) -> (i32, i32) {
    %c0_i32 = arith.constant 0 : i32
    %c0_i32_0 = arith.constant 0 : i32
    return %arg0, %c0_i32 : i32, i32
  }
  func.func @transform_1(%arg0: i32) -> (i32, i32) {
    %c0_i32 = arith.constant 0 : i32
    %c0_i32_0 = arith.constant 0 : i32
    return %arg0, %c0_i32 : i32, i32
  }
  func.func @transform_2(%arg0: i32) -> (i32, i32) {
    %c0_i32 = arith.constant 0 : i32
    %c0_i32_0 = arith.constant 0 : i32
    return %arg0, %c0_i32 : i32, i32
  }
  func.func @transform_3(%arg0: i32) -> (i32, i32) {
    %c0_i32 = arith.constant 0 : i32
    %c0_i32_0 = arith.constant 0 : i32
    %c0_i32_1 = arith.constant 0 : i32
    return %c0_i32, %c0_i32_0 : i32, i32
  }
  func.func @transform_4(%arg0: i32) -> (i32, i32) {
    %c0_i32 = arith.constant 0 : i32
    %c0_i32_0 = arith.constant 0 : i32
    return %arg0, %c0_i32 : i32, i32
  }
}

</mosaic_0001>

<sc_bundles>
// kernel: kernel.4.cloned.1.call-start
scs
__scs_entry_jumppad:
0x0: {  	(pc) =	sbr.rel $0x88, $3  }
0x1: {  	(tag) =	ssettag $0x0;
	lr =	simm.s32 $0x1  }
0x2: {  	[smem:$0x3F9E] =	sst lr;
	_ =	strace $0xD0000000  }
0x3: {  	_ = 	snop  }
0x4: {  	_ = 	snop  }
0x5: {  	_ = 	snop  }
0x6: {  	_ = 	snop  }
0x7: {  	_ = 	snop  }
__scs_overlays_trampoline_lowered:
0x8: {  	[smem:$0x3FAD] =	sst s0  }
0x9: {  	[smem:$0x3FAE] =	sst s1  }
0xa: {  	[smem:$0x3FAF] =	sst s2  }
0xb: {  	[smem:$0x3FB0] =	sst s3  }
0xc: {  	[smem:$0x3FB1] =	sst s4  }
0xd: {  	[smem:$0x3FB2] =	sst s5  }
0xe: {  	[smem:$0x3FB3] =	sst s6  }
0xf: {  	[smem:$0x3FB4] =	sst s7  }
0x10: {  	[smem:$0x3FB5] =	sst s8  }
0x11: {  	[smem:$0x3FB6] =	sst s9;
	s0 =	simm.s32 @!p0 $0x0  }
0x12: {  	s1 =	sld [smem:$0x3F9C];
	s0 =	simm.s32 @p0 $0x1  }
0x13: {  	[smem:$0x3FB7] =	sst s0;
	s0 =	simm.s32 @!p1 $0x0  }
0x14: {  	s2 =	sld [smem:$0x3F9B];
	s0 =	simm.s32 @p1 $0x1  }
0x15: {  	[smem:$0x3FB8] =	sst s0;
	s0 =	simm.s32 @!p2 $0x0  }
0x16: {  	s3 =	sld [smem:$0x3FDB];
	s0 =	simm.s32 @p2 $0x1  }
0x17: {  	s4 =	simm.s32 $0x1BF5;
	[smem:$0x3FBA] =	sst s0  }
0x18: {  	s0 =	sld [smem:$0x3F9D];
	_ =	swait.ge [sflag:s4], $0x0  }
0x19: {  	s7 =	sld [smem:$0x3F9E]  }
0x1a: {  	s8 =	sadd.s32 $0xFFFFE003, lr  }
0x1b: {  	s9 =	sadd.s32 $0xFFFFFEF7, lr;
	s5 =	simm.s32 $0xFFFFFFFF;
	p2 =	slt.u32 s8, $0xFFFFF086  }
0x1c: {  	p1 =	slt.u32 s9, $0xF7A;
	s5 =	simm.s32 @!p2 $0x0  }
0x1d: {  	s5 =	simm.s32 @p1 $0x1;
	p0 =	seq.s32 s7, s2  }
0x1e: {  	s7 =	smul.u32 @!p0 $0xF7A, s2;
	p2 =	seq.s32 @!p0 s5, $0x0  }
0x1f: {  	s9 =	smul.u32 $0xF7A, s1;
	s8 =	simm.s32 @!p0 $0x1BF5;
	p2 =	por !p2, p0  }
0x20: {  	[sflag:s8] =	ssyncset.s32 @!p0 $0xFFFFF086;
	s6 =	sadd.s32 @!p0 s3, s7;
	s7 =	simm.s32 @!p0 $0x108  }
0x21: {  	s3 =	sadd.s32 s3, s9;
	s6 =	sadd.s32 @!p0 $0x88, s6;
	s7 =	simm.s32 @p2 $0x1082  }
0x22: {  	[simem:s7], [sflag:s8] =	dma.local @!p0 [hbm:s6], $0xF7A  }
0x23: {  	s9 =	sor.u32 $0xD0000000, s2;
	s6 =	simm.s32 $0x108;
	_ =	swait.ge @!p0 [sflag:s8], $0x0  }
0x24: {  	s3 =	sadd.s32 $0x88, s3;
	s6 =	simm.s32 @!p1 $0x1082;
	[sflag:s4] =	ssyncset.s32 $0xFFFFF086  }
0x25: {  	[simem:s6], [sflag:s4] =	dma.local [hbm:s3], $0xF7A  }
0x26: {  	[smem:$0x3F9E] =	sst s1;
	(tag) =	ssettag s2;
	_ =	strace s9  }
0x27: {  	s1 =	sld [smem:$0x3FAE]  }
0x28: {  	s2 =	sld [smem:$0x3FAF]  }
0x29: {  	s4 =	sld [smem:$0x3FB1]  }
0x2a: {  	p0 =	seq.s32 s5, $0x0;
	s5 =	sld [smem:$0x3FB2]  }
0x2b: {  	s6 =	sld [smem:$0x3FB3]  }
0x2c: {  	s7 =	sld [smem:$0x3FB4]  }
0x2d: {  	s3 =	simm.s32 $0x108;
	s8 =	sld [smem:$0x3FB5]  }
0x2e: {  	s3 =	simm.s32 @!p0 $0x1082;
	s9 =	sld [smem:$0x3FB6]  }
0x2f: {  	lr =	sadd.s32 s0, s3;
	s0 =	sld [smem:$0x3FAD]  }
0x30: {  	s3 =	sld [smem:$0x3FB0]  }
0x31: {  	[smem:$0x3FB9] =	sst s10  }
0x32: {  	s10 =	sld [smem:$0x3FB7];
	_ =	sdelay $0x3  }
0x33: {  	p0 =	seq.s32 s10, $0x1;
	s10 =	sld [smem:$0x3FB9];
	_ =	sdelay $0x3  }
0x34: {  	[smem:$0x3FB9] =	sst s10  }
0x35: {  	s10 =	sld [smem:$0x3FB8];
	_ =	sdelay $0x3  }
0x36: {  	p1 =	seq.s32 s10, $0x1;
	s10 =	sld [smem:$0x3FB9];
	_ =	sdelay $0x3  }
0x37: {  	[smem:$0x3FB9] =	sst s10  }
0x38: {  	s10 =	sld [smem:$0x3FBA]  }
0x39: {  	_ = 	snop;
	(pc) =	sbr.ind lr, $3  }
0x3a: {  	_ = 	snop  }
0x3b: {  	_ = 	snop  }
0x3c: {  	p2 =	seq.s32 s10, $0x1;
	s10 =	sld [smem:$0x3FB9]  }
0x3d: {  	_ =	shalt  }
0x3e: {  	_ =	shalt  }
0x3f: {  	_ =	shalt  }
0x40: {  	_ =	shalt  }
0x41: {  	_ =	shalt  }
0x42: {  	_ =	shalt  }
0x43: {  	_ =	shalt  }
0x44: {  	_ =	shalt  }
0x45: {  	_ =	shalt  }
0x46: {  	_ =	shalt  }
0x47: {  	_ =	shalt  }
0x48: {  	_ =	shalt  }
0x49: {  	_ =	shalt  }
0x4a: {  	_ =	shalt  }
0x4b: {  	_ =	shalt  }
0x4c: {  	_ =	shalt  }
0x4d: {  	_ =	shalt  }
0x4e: {  	_ =	shalt  }
0x4f: {  	_ =	shalt  }
0x50: {  	_ =	shalt  }
0x51: {  	_ =	shalt  }
0x52: {  	_ =	shalt  }
0x53: {  	_ =	shalt  }
0x54: {  	_ =	shalt  }
0x55: {  	_ =	shalt  }
0x56: {  	_ =	shalt  }
0x57: {  	_ =	shalt  }
0x58: {  	_ =	shalt  }
0x59: {  	_ =	shalt  }
0x5a: {  	_ =	shalt  }
0x5b: {  	_ =	shalt  }
0x5c: {  	_ =	shalt  }
0x5d: {  	_ =	shalt  }
0x5e: {  	_ =	shalt  }
0x5f: {  	_ =	shalt  }
0x60: {  	_ =	shalt  }
0x61: {  	_ =	shalt  }
0x62: {  	_ =	shalt  }
0x63: {  	_ =	shalt  }
0x64: {  	_ =	shalt  }
0x65: {  	_ =	shalt  }
0x66: {  	_ =	shalt  }
0x67: {  	_ =	shalt  }
0x68: {  	_ =	shalt  }
0x69: {  	_ =	shalt  }
0x6a: {  	_ =	shalt  }
0x6b: {  	_ =	shalt  }
0x6c: {  	_ =	shalt  }
0x6d: {  	_ =	shalt  }
0x6e: {  	_ =	shalt  }
0x6f: {  	_ =	shalt  }
0x70: {  	_ =	shalt  }
0x71: {  	_ =	shalt  }
0x72: {  	_ =	shalt  }
0x73: {  	_ =	shalt  }
0x74: {  	_ =	shalt  }
0x75: {  	_ =	shalt  }
0x76: {  	_ =	shalt  }
0x77: {  	_ =	shalt  }
0x78: {  	_ =	shalt  }
0x79: {  	_ =	shalt  }
0x7a: {  	_ =	shalt  }
0x7b: {  	_ =	shalt  }
0x7c: {  	_ =	shalt  }
0x7d: {  	_ =	shalt  }
0x7e: {  	_ =	shalt  }
0x7f: {  	_ =	shalt  }
0x80: {  	_ =	shalt  }
0x81: {  	_ =	shalt  }
0x82: {  	_ =	shalt  }
0x83: {  	_ =	shalt  }
0x84: {  	_ =	shalt  }
0x85: {  	_ =	shalt  }
0x86: {  	_ =	shalt  }
0x87: {  	_ =	shalt  }
.Lfunc_end0:
.L_simem_size_0:
called_computation_lowered:
.L_overlay_start_0:
0x88: {  	s2 =	sld [smem:$0x3FD9]  }
0x89: {  	s3 =	sld [smem:$0x3FFE];
	_ =	sdelay $0x1  }
0x8a: {  	s1 =	srdreg.scid  }
0x8b: {  	s0 =	sand.u32 $0x1, s1  }
0x8c: {  	s17 =	sshll.u32 s0, $0xA;
	s2 =	sadd.s32 s3, s2  }
0x8d: {  	s2 =	sadd.s32 s2, s17  }
0x8e: {  	[smem:$0x3FC5] =	sst s2  }
0x8f: {  	_ = 	snop  }
0x90: {  	s2 =	sld [smem:$0x3FD0];
	(tm) =	ssettm $0x1  }
0x91: {  	s18 =	sld [smem:$0x3FFB];
	_ =	sdelay $0x3  }
0x92: {  	_ =	strace s18  }
0x93: {  	s3 =	sld [smem:$0x3FFC];
	_ =	sdelay $0x3  }
0x94: {  	_ =	strace s3  }
0x95: {  	s3 =	sld [smem:$0x3FFD];
	_ =	sdelay $0x3  }
0x96: {  	_ =	strace s3  }
0x97: {  	_ =	strace $0x8FFFFFFF  }
0x98: {  	s19 =	sld [smem:$0x3FDB];
	_ =	sdelay $0x1  }
0x99: {  	s4 =	simm.s32 $_scs_section_size  }
0x9a: {  	s5 =	simm.s32 $_size__tile_overlayer_lowered;
	s6 =	simm.s32 $_tile_overlayer_lowered  }
0x9b: {  	s22 =	simm.s32 $0x1BFF;
	s21 =	sshll.u32 s6, $0x1;
	s3 =	sadd.s32 s4, s19  }
0x9c: {  	s7 =	simm.s32 $0x0;
	s20 =	sshll.u32 s5, $0x1;
	s5 =	sadd.s32 s21, s3  }
0x9d: {  	[timem:s7], [sflag:s22] =	dma.local [hbm:s5], s20  }
0x9e: {  	_ =	swait.ge [sflag:s22], s20  }
0x9f: {  	s4 =	ssub.s32 $0x0, s20;
	[sflag:s22] =	ssyncset.done $0x0  }
0xa0: {  	[sflag:s22] =	ssyncadd.s32 s4;
	_ =	sdelay $0x1  }
0xa1: {  	s23 =	simm.s32 $0x1B8B  }
0xa2: {  	_ =	swait.ge [sflag:s23], $0x1  }
0xa3: {  	[sflag:s23] =	ssyncset.done $0x0  }
0xa4: {  	s25 =	simm.s32 $0x1B8E;
	s24 =	sld [smem:$0x3FFE];
	[sflag:s23] =	ssyncadd.s32 $0xFFFFFFFF  }
0xa5: {  	s26 =	simm.s32 $execute0_lowered;
	[smem:$0x3FD2] =	sst s25  }
0xa6: {  	s5 =	sshll.u32 s26, $0x1;
	_ =	strace $0x80000046;
	[dreg:$0x1] =	wrdreg $0xFFFFFFFF  }
0xa7: {  	s28 =	simm.s32 $_size_execute0_lowered;
	s3 =	sadd.s32 s3, s5;
	[dreg:$0x0] =	wrdreg $0x0  }
0xa8: {  	s5 =	sshll.u32 s28, $0x1;
	[dreg:$0x2] =	wrdreg s3  }
0xa9: {  	[dreg:$0x3] =	wrdreg s5  }
0xaa: {  	[dreg:$0x4] =	wrdreg $0xC0  }
0xab: {  	_ =	task [dreg:s7], $0x5FFFF  }
0xac: {  	[dreg:$0x1] =	wrdreg $0xFFFFFFFF  }
0xad: {  	[dreg:$0x0] =	wrdreg $0x60  }
0xae: {  	[dreg:$0x2] =	wrdreg s2  }
0xaf: {  	[dreg:$0x3] =	wrdreg s24  }
0xb0: {  	[dreg:$0x4] =	wrdreg $0x51800  }
0xb1: {  	[dreg:$0x5] =	wrdreg $0x9  }
0xb2: {  	_ =	task.clear_ibuf [dreg:s7], $0x6FFFF;
	_ =	strace $0x90000046  }
0xb3: {  	s29 =	simm.s32 $0x9;
	_ =	strace $0x80000048  }
0xb4: {  	_ =	swait.ge [sflag:s29], $0x1  }
0xb5: {  	[sflag:s29] =	ssyncadd.s32 $0xFFFFFFFF  }
0xb6: {  	_ =	strace $0x90000048  }
0xb7: {  	_ =	sfence  }
0xb8: {  	s30 =	sld [smem:$0x0];
	_ =	sdelay $0x2  }
0xb9: {  	s31 =	sshll.u32 s1, $0xD;
	s1 =	sshrl.u32 s1, $0x2  }
0xba: {  	s3 =	sand.u32 $0x4000, s31;
	s1 =	sadd.s32 s1, s30  }
0xbb: {  	s0 =	sor.u32 s3, s0;
	s1 =	sshll.u32 s1, $0x11  }
0xbc: {  	s0 =	sor.u32 s1, s0  }
0xbd: {  	s0 =	sadd.s32 $0x8F2B, s0  }
0xbe: {  	[sflag:s0] =	ssyncadd.remote.s32 $0x1  }
0xbf: {  	_ =	sfence.sel $0xFFFF  }
0xc0: {  	[dreg:$0x0] =	wrdreg $0xFFFFFFFF;
	(pc) =	sbr.abs _section_cstart, $3  }
0xc1: {  	[dreg:$0x1] =	wrdreg $0xFFFFFFFF  }
0xc2: {  	_ =	task.clear_ibuf [dreg:s7], $0x2FFFF;
	_ =	strace $0x9FFFFFFF  }
0xc3: {  	(tm) =	ssettm $0x7FFFFFFF  }
tec
execute0_lowered:
.L_overlay_start_1:
0x0: {  	(tag) =	ssettag $0x1  }
0x1: {  	s1 =	srdreg.scid;
	s0 =	stileid.u32  }
0x2: {  	s5 =	sand.u32 $0x1, s1;
	s30 =	sshll.u32 s0, $0x1  }
0x3: {  	s1 =	sor.u32 s5, s30  }
0x4: {  	s4 =	rddreg [dreg:$0x0];
	s7 =	smul.u32 $0x2710, s1  }
0x5: {  	s6 =	rddreg [dreg:$0x1]  }
0x6: {  	s2 =	rddreg [dreg:$0x2];
	s3 =	simm.s32 $0x0;
	s7 =	sshrl.u32 s7, $0x3  }
0x7: {  	[smem:$0x7FF] =	sst s3;
	s4 =	sadd.s32 s4, s7  }
0x8: {  	s1 =	rddreg [dreg:$0x3];
	_ =	strace $0x80000047;
	s7 =	sadd.s32 $0x9C40, s4  }
0x9: {  	[tilespmem:s3], [sflag:$0x1] =	stream.linear.gather [hbm4b:s7+s3], $0x2710, $0x38;
	[tilespmem:$0x5400] =	vst v63  }
0xa: {  	s8 =	sadd.s32 $0x1600, s6;
	s4 =	simm.s32 $0x2780  }
0xb: {  	v0 =	vimm.s32 $0x0;
	[tilespmem:s4], [sflag:$0x2] =	stream.linear.gather [hbm4b:s8+s3], $0x2780, $0x38;
	[tilespmem:$0x5400] =	vst v63  }
0xc: {  	[tilespmem:$0x5170] =	vst v0  }
0xd: {  	[tilespmem:$0x5160] =	vst v0  }
0xe: {  	[tilespmem:$0x5150] =	vst v0  }
0xf: {  	[tilespmem:$0x5140] =	vst v0  }
0x10: {  	[tilespmem:$0x5130] =	vst v0  }
0x11: {  	[tilespmem:$0x5120] =	vst v0  }
0x12: {  	[tilespmem:$0x5110] =	vst v0  }
0x13: {  	[tilespmem:$0x5100] =	vst v0  }
0x14: {  	[tilespmem:$0x50F0] =	vst v0  }
0x15: {  	[tilespmem:$0x50E0] =	vst v0  }
0x16: {  	s9 =	ssub.s32 $0x2, s5;
	[tilespmem:$0x50D0] =	vst v0  }
0x17: {  	s10 =	sshrl.u32 s9, $0x1;
	[tilespmem:$0x50C0] =	vst v0  }
0x18: {  	s10 =	ssub.s32 s9, s10;
	[tilespmem:$0x50B0] =	vst v0  }
0x19: {  	p0 =	seq.s32 s5, $0x1;
	s5 =	simm.s32 $0x2200;
	s16 =	smax.u32 s10, $0x1;
	[tilespmem:$0x50A0] =	vst v0  }
0x1a: {  	s11 =	smul.u32 $0x280, s0;
	s5 =	simm.s32 @!p0 $0x1C00;
	p0 =	sne.s32 s16, $0x1;
	[tilespmem:$0x5090] =	vst v0  }
.Ltmp0:
0x1b: {  	s15 =	simm.s32 $0x4F00;
	[tilespmem:$0x5080] =	vst v0;
	(pc) =	sbr.rel @!p0 .LBB2_2-.Ltmp0, $4  }
0x1c: {  	s14 =	simm.s32 $0x1;
	s12 =	simm.s32 $0x2710;
	s31 =	sshll.u32 s0, $0x6;
	[tilespmem:$0x5070] =	vst v0  }
0x1d: {  	s9 =	sadd.s32 s11, s2;
	s11 =	sshrl.u32 s11, $0x3;
	s5 =	sadd.s32 s5, s6;
	[tilespmem:$0x5060] =	vst v0  }
0x1e: {  	s6 =	simm.s32 $0x3;
	s5 =	sadd.s32 s5, s11;
	s11 =	simm.s32 $0x2;
	[tilespmem:$0x5050] =	vst v0  }
0x1f: {  	s10 =	sor.u32 $0x1C03, s31;
	s13 =	sshrl.u32 s9, $0x3;
	s16 =	sadd.s32 $0xFFFFFFFF, s16;
	[tilespmem:$0x5040] =	vst v0  }
.LBB2_1:
0x20: {  	p0 =	sne.s32 s16, $0x1;
	s16 =	sadd.s32 $0xFFFFFFFF, s16;
	[tilespmem:$0x5030] =	vst v0  }
0x21: {  	[tilespmem:$0x5020] =	vst v0  }
0x22: {  	[tilespmem:$0x5010] =	vst v0  }
0x23: {  	[tilespmem:$0x5000] =	vst v0  }
0x24: {  	[tilespmem:$0x4FF0] =	vst v0  }
0x25: {  	[tilespmem:$0x4FE0] =	vst v0  }
0x26: {  	[tilespmem:$0x4FD0] =	vst v0  }
0x27: {  	[tilespmem:$0x4FC0] =	vst v0  }
0x28: {  	[tilespmem:$0x4FB0] =	vst v0  }
0x29: {  	[tilespmem:$0x4FA0] =	vst v0  }
0x2a: {  	[tilespmem:$0x4F90] =	vst v0  }
0x2b: {  	[tilespmem:$0x4F80] =	vst v0  }
0x2c: {  	[tilespmem:$0x4F70] =	vst v0  }
0x2d: {  	[tilespmem:$0x4F60] =	vst v0  }
0x2e: {  	[tilespmem:$0x4F50] =	vst v0  }
0x2f: {  	[tilespmem:$0x4F40] =	vst v0  }
0x30: {  	[tilespmem:$0x4F30] =	vst v0  }
0x31: {  	[tilespmem:$0x4F20] =	vst v0  }
0x32: {  	[tilespmem:$0x4F00] =	vst v0  }
0x33: {  	[tilespmem:$0x4F10] =	vst v0  }
0x34: {  	[spmem:s9] =	stream.linear.scatter [tilespmem:s15], [sflag:$0x3], $0x280, $0x38;
	[tilespmem:$0x5400] =	vst v63  }
0x35: {  	_ =	swait.ge [sflag:s6], $0x280  }
0x36: {  	[sflag:s6] =	ssyncset.done $0x0  }
0x37: {  	[sflag:s6] =	ssyncadd.s32 $0xFFFFFD80  }
0x38: {  	_ =	swait.ge [sflag:s14], $0x2710  }
0x39: {  	[sflag:s14] =	ssyncset.done $0x0  }
0x3a: {  	[sflag:s14] =	ssyncadd.s32 $0xFFFFD8F0  }
0x3b: {  	_ =	swait.ge [sflag:s11], $0x2780  }
0x3c: {  	[sflag:s11] =	ssyncset.done $0x0  }
0x3d: {  	[sflag:s11] =	ssyncadd.s32 $0xFFFFD880  }
0x3e: {  	[bflag:$0x0] =	sbarrier.arrive $0xFFFF  }
0x3f: {  	[spmem:s2] =	stream.indirect.scatter.add.s32 [tilespmem:s4], [sflag:$0x3], $0x1, s3, s12, $0xb8;
	[tilespmem:$0x5400] =	vst v63  }
0x40: {  	_ =	swait.ge [sflag:s6], $0x2710  }
0x41: {  	[sflag:s6] =	ssyncset.done $0x0  }
0x42: {  	[sflag:s6] =	ssyncadd.s32 $0xFFFFD8F0  }
0x43: {  	[bflag:$0x0] =	sbarrier.arrive $0xFFFF  }
0x44: {  	[hbm:s5], [sflag:s10] =	dma.local [spmem:s13], $0x50  }
0x45: {  	_ =	swait.ge [sflag:s6], $0x50  }
0x46: {  	[sflag:s6] =	ssyncset.done $0x0  }
0x47: {  	[sflag:s6] =	ssyncadd.s32 $0xFFFFFFB0  }
0x48: {  	[tilespmem:s3], [sflag:$0x1] =	stream.linear.gather [hbm4b:s7+s3], $0x2710, $0x38;
	[tilespmem:$0x5400] =	vst v63  }
0x49: {  	_ = 	snop  }
0x4a: {  	[tilespmem:s4], [sflag:$0x2] =	stream.linear.gather [hbm4b:s8+s3], $0x2780, $0x38;
	[tilespmem:$0x5400] =	vst v63  }
0x4b: {  	[tilespmem:$0x5170] =	vst v0  }
0x4c: {  	[tilespmem:$0x5160] =	vst v0  }
0x4d: {  	[tilespmem:$0x5150] =	vst v0  }
0x4e: {  	[tilespmem:$0x5140] =	vst v0  }
0x4f: {  	[tilespmem:$0x5130] =	vst v0  }
0x50: {  	[tilespmem:$0x5120] =	vst v0  }
0x51: {  	[tilespmem:$0x5110] =	vst v0  }
0x52: {  	[tilespmem:$0x5100] =	vst v0  }
0x53: {  	[tilespmem:$0x50F0] =	vst v0  }
0x54: {  	[tilespmem:$0x50E0] =	vst v0  }
0x55: {  	[tilespmem:$0x50D0] =	vst v0  }
0x56: {  	[tilespmem:$0x50C0] =	vst v0  }
0x57: {  	[tilespmem:$0x50B0] =	vst v0  }
0x58: {  	[tilespmem:$0x50A0] =	vst v0  }
0x59: {  	[tilespmem:$0x5090] =	vst v0  }
.Ltmp1:
0x5a: {  	[tilespmem:$0x5080] =	vst v0;
	(pc) =	sbr.rel @p0 .LBB2_1-.Ltmp1, $4  }
0x5b: {  	[tilespmem:$0x5070] =	vst v0  }
0x5c: {  	[tilespmem:$0x5060] =	vst v0  }
0x5d: {  	[tilespmem:$0x5050] =	vst v0  }
0x5e: {  	[tilespmem:$0x5040] =	vst v0  }
.LBB2_2:
0x5f: {  	[tilespmem:$0x5030] =	vst v0  }
0x60: {  	[tilespmem:$0x5020] =	vst v0  }
0x61: {  	[tilespmem:$0x5010] =	vst v0  }
0x62: {  	[tilespmem:$0x5000] =	vst v0  }
0x63: {  	[tilespmem:$0x4FF0] =	vst v0  }
0x64: {  	[tilespmem:$0x4FE0] =	vst v0  }
0x65: {  	[tilespmem:$0x4FD0] =	vst v0  }
0x66: {  	[tilespmem:$0x4FC0] =	vst v0  }
0x67: {  	[tilespmem:$0x4FB0] =	vst v0  }
0x68: {  	[tilespmem:$0x4FA0] =	vst v0  }
0x69: {  	[tilespmem:$0x4F90] =	vst v0  }
0x6a: {  	[tilespmem:$0x4F80] =	vst v0  }
0x6b: {  	[tilespmem:$0x4F70] =	vst v0  }
0x6c: {  	[tilespmem:$0x4F60] =	vst v0  }
0x6d: {  	[tilespmem:$0x4F50] =	vst v0  }
0x6e: {  	[tilespmem:$0x4F40] =	vst v0  }
0x6f: {  	[tilespmem:$0x4F30] =	vst v0  }
0x70: {  	[tilespmem:$0x4F20] =	vst v0  }
0x71: {  	[tilespmem:$0x4F00] =	vst v0  }
0x72: {  	[tilespmem:$0x4F10] =	vst v0  }
0x73: {  	[spmem:s9] =	stream.linear.scatter [tilespmem:s15], [sflag:$0x3], $0x280, $0x38;
	[tilespmem:$0x5400] =	vst v63  }
0x74: {  	_ =	swait.ge [sflag:s6], $0x280  }
0x75: {  	[sflag:s6] =	ssyncset.done $0x0  }
0x76: {  	[sflag:s6] =	ssyncadd.s32 $0xFFFFFD80  }
0x77: {  	_ =	swait.ge [sflag:s14], $0x2710  }
0x78: {  	[sflag:s14] =	ssyncset.done $0x0  }
0x79: {  	[sflag:s14] =	ssyncadd.s32 $0xFFFFD8F0  }
0x7a: {  	_ =	swait.ge [sflag:s11], $0x2780  }
0x7b: {  	[sflag:s11] =	ssyncset.done $0x0  }
0x7c: {  	[sflag:s11] =	ssyncadd.s32 $0xFFFFD880  }
0x7d: {  	[bflag:$0x0] =	sbarrier.arrive $0xFFFF  }
0x7e: {  	[spmem:s2] =	stream.indirect.scatter.add.s32 [tilespmem:s4], [sflag:$0x3], $0x1, s3, s12, $0xb8;
	[tilespmem:$0x5400] =	vst v63  }
0x7f: {  	_ =	swait.ge [sflag:s6], $0x2710  }
0x80: {  	[sflag:s6] =	ssyncset.done $0x0  }
0x81: {  	[sflag:s6] =	ssyncadd.s32 $0xFFFFD8F0  }
0x82: {  	[bflag:$0x0] =	sbarrier.arrive $0xFFFF  }
0x83: {  	[hbm:s5], [sflag:s10] =	dma.local [spmem:s13], $0x50  }
0x84: {  	_ =	swait.ge [sflag:s6], $0x50  }
0x85: {  	[sflag:s6] =	ssyncset.done $0x0  }
0x86: {  	[sflag:s6] =	ssyncadd.s32 $0xFFFFFFB0  }
0x87: {  	_ =	sfence.sel $0x180000  }
0x88: {  	[bflag:$0x0] =	sbarrier.arrive $0xFFFF  }
0x89: {  	p0 =	sne.s32 s0, $0x0;
	_ =	strace $0x90000047  }
0x8a: {  	s0 =	sadd.s32 @!p0 $0x100000, s1;
	[bflag:$0x2] =	sbarrier.arrive $0xFFFF  }
0x8b: {  	[sflag:s0] =	ssyncadd.tile.s32 @!p0 $0x1;
	_ =	shalt  }
.Lfunc_end2:
_tile_overlayer_lowered:
.L_overlay_start_2:
0x8c: {  	(tag) =	ssettag $0x2  }
0x8d: {  	s0 =	rddreg [dreg:$0x0];
	s2 =	stileid.u32  }
0x8e: {  	s1 =	rddreg [dreg:$0x1];
	p0 =	sne.s32 s2, $0x0  }
0x8f: {  	s3 =	rddreg [dreg:$0x2];
	[bflag:$0x3] =	sbarrier.arrive $0xFFFF;
	s2 =	simm.s32 @!p0 $0x1C03  }
0x90: {  	[timem:s3], [sflag:s2] =	dma.local @!p0 [hbm:s0], s1  }
0x91: {  	s0 =	simm.s32 @!p0 $0x3  }
0x92: {  	_ =	swait.ge @!p0 [sflag:s0], s1  }
0x93: {  	s1 =	ssub.s32 @!p0 $0x0, s1;
	[sflag:s0] =	ssyncset.done @!p0 $0x0  }
0x94: {  	[sflag:s0] =	ssyncadd.s32 @!p0 s1  }
0x95: {  	[bflag:$0x3] =	sbarrier.arrive $0xFFFF  }
0x96: {  	_ =	shalt  }

</sc_bundles>
